<compile_context>
chip_gen: v7x
topology: tpu7x:2x2x1
jax: 0.10.2.dev20260603
libtpu: 0.0.44.dev20260713+nightly
codegen_flags: <defaults>
</compile_context>

<pallas_src>
import functools

import jax
import jax.numpy as jnp
from jax import lax
from jax.experimental import pallas as pl
from jax.experimental.pallas import tpu as pltpu
from jax.experimental.pallas import tpu_sc as plsc

_D = 128
_CHUNK = 128
_NW = 32
_NBUF = 6
_DEPTH = 5


def _make_gather(n_rows):
    b_per_w = n_rows // _NW
    n_chunks = b_per_w // _CHUNK
    mesh = plsc.VectorSubcoreMesh(core_axis_name="c", subcore_axis_name="s")

    @functools.partial(
        pl.kernel,
        mesh=mesh,
        out_type=jax.ShapeDtypeStruct((n_rows, _D), jnp.float32),
        scratch_types=[
            pltpu.VMEM((n_chunks, _CHUNK), jnp.int32),
            pltpu.VMEM((_NBUF, _CHUNK, _D), jnp.float32),
            pltpu.SemaphoreType.DMA((_NBUF,)),
            pltpu.SemaphoreType.DMA((_NBUF,)),
        ],
    )
    def gather_kernel(table_hbm, idx_hbm, out_hbm, idx_v, rows_v, gsem, psem):
        cid = lax.axis_index("c")
        sid = lax.axis_index("s")
        wid = sid * 2 + cid
        base = wid * b_per_w
        pltpu.sync_copy(idx_hbm.at[pl.ds(wid * n_chunks, n_chunks)], idx_v)

        def gather_desc(j, b):
            return pltpu.make_async_copy(
                table_hbm.at[idx_v.at[j]], rows_v.at[b], gsem.at[b]
            )

        def put_desc(j, b):
            return pltpu.make_async_copy(
                rows_v.at[b],
                out_hbm.at[pl.ds(base + j * _CHUNK, _CHUNK)],
                psem.at[b],
            )

        for b in range(_DEPTH):
            gather_desc(b, b).start()

        def body(j, carry):
            b = lax.rem(j, _NBUF)
            gather_desc(j, b).wait()
            put_desc(j, b).start()
            jn = j + _DEPTH

            @pl.when(jn < n_chunks)
            def _():
                bn = lax.rem(jn, _NBUF)

                @pl.when(jn >= _NBUF)
                def _():
                    put_desc(jn - _NBUF, bn).wait()

                gather_desc(jn, bn).start()

            return carry

        lax.fori_loop(0, n_chunks, body, 0)

        for t in range(_NBUF):
            jo = n_chunks - _NBUF + t
            put_desc(jo, jo % _NBUF).wait()

    return gather_kernel


def kernel(input_ids, embed_table):
    batch, hist = input_ids.shape
    idx = input_ids.astype(jnp.int32).T.reshape(-1, _CHUNK)
    out = _make_gather(batch * hist)(embed_table, idx)
    return out.reshape(hist, batch, _D).transpose(1, 0, 2)

# --- scband reference (transcript-rebuilt; emitter-appended) ---
"""Pipeline reference for scband-embedding-2774548873608 (READ-ONLY COPY).

The authoritative reference and input builder live on the scoring server;
editing this copy changes nothing except your own understanding.
"""

import jax, jax.numpy as jnp
import numpy as np

VOCAB = 100000
EMBED_DIM = 128
BATCH = 16384
HIST = 50

def setup_inputs(seed: int = 0) -> dict:
    key = jax.random.key(seed)
    k_idx, k_tab = jax.random.split(key)
    input_ids = jax.random.randint(k_idx, (BATCH, HIST), 0, VOCAB, dtype=jnp.int64)
    embed_table = jax.random.normal(k_tab, (VOCAB, EMBED_DIM), dtype=jnp.float32) * 0.02
    return {"input_ids": input_ids, "embed_table": embed_table}

def reference(input_ids, embed_table):
    # Faithful jax translation: llm_model.embed_tokens(input_ids) -> embedding row gather
    return jnp.take(embed_table, input_ids, axis=0)

if __name__ == "__main__":
    import jax
    _d = setup_inputs()
    print(jax.jit(kernel)(*tuple(_d.values())))

</pallas_src>

<mosaic_0001>
#map = affine_map<(d0, d1) -> (0, 0)>
module attributes {stable_mosaic.version = 14 : i64} {
  func.func @gather_kernel(%arg0: i32, %arg1: i32, %arg2: memref<100000x128xf32, #tpu.memory_space<hbm>>, %arg3: memref<6400x128xi32, #tpu.memory_space<hbm>>, %arg4: memref<819200x128xf32, #tpu.memory_space<hbm>>, %arg5: memref<200x128xi32, #tpu.memory_space<vmem>>, %arg6: memref<6x128x128xf32, #tpu.memory_space<vmem>>, %arg7: memref<6x!tpu.dma_semaphore, #tpu.memory_space<semaphore_mem>>, %arg8: memref<6x!tpu.dma_semaphore, #tpu.memory_space<semaphore_mem>>) attributes {dimension_semantics = [#tpu.dimension_semantics<core_parallel>, #tpu.dimension_semantics<subcore_parallel>], iteration_bounds = array<i64: 2, 16>, scalar_prefetch = 0 : i64, scratch_operands = 4 : i64, tpu.core_type = #tpu.core_type<sc_vector_subcore>, window_params = [{transform_indices = #map}, {transform_indices = #map}, {transform_indices = #map}]} {
    %mul3A = arith.constant 2 : i32
    %mul3A_0 = arith.muli %arg1, %mul3A : i32
    %add3A = arith.addi %mul3A_0, %arg0 : i32
    %mul3A_1 = arith.constant 25600 : i32
    %mul3A_2 = arith.muli %add3A, %mul3A_1 : i32
    %mul3A_3 = arith.constant 200 : i32
    %mul3A_4 = arith.muli %add3A, %mul3A_3 : i32
    "tpu.region"() ({
      %run_scoped3A = tpu.sem_alloc : memref<!tpu.dma_semaphore, #tpu.memory_space<semaphore_mem>>
      %dma_start3A_191 = arith.constant 0 : i32
      %dma_start3A_192 = tpu.memref_slice %arg3[%mul3A_4, %dma_start3A_191] : memref<6400x128xi32, #tpu.memory_space<hbm>> -> memref<200x128xi32, #tpu.memory_space<hbm>>
      %dma_start3A_193 = arith.constant 0 : i32
      %dma_start3A_194 = tpu.memref_slice %arg3[%mul3A_4, %dma_start3A_193] : memref<6400x128xi32, #tpu.memory_space<hbm>> -> memref<200x128xi32, #tpu.memory_space<hbm>>
      tpu.enqueue_dma source(%dma_start3A_194 : memref<200x128xi32, #tpu.memory_space<hbm>>) target(%arg5 : memref<200x128xi32, #tpu.memory_space<vmem>>) target_semaphore(%run_scoped3A : memref<!tpu.dma_semaphore, #tpu.memory_space<semaphore_mem>>)
      %dma_wait3A_195 = arith.constant 0 : i32
      %dma_wait3A_196 = tpu.memref_slice %arg3[%mul3A_4, %dma_wait3A_195] : memref<6400x128xi32, #tpu.memory_space<hbm>> -> memref<200x128xi32, #tpu.memory_space<hbm>>
      %dma_wait3A_197 = arith.constant 0 : i32
      %dma_wait3A_198 = tpu.memref_slice %arg3[%mul3A_4, %dma_wait3A_197] : memref<6400x128xi32, #tpu.memory_space<hbm>> -> memref<200x128xi32, #tpu.memory_space<hbm>>
      tpu.wait_dma2 semaphore(%run_scoped3A : memref<!tpu.dma_semaphore, #tpu.memory_space<semaphore_mem>>) src(%dma_wait3A_198 : memref<200x128xi32, #tpu.memory_space<hbm>>) dst(%arg5 : memref<200x128xi32, #tpu.memory_space<vmem>>)
      tpu.yield
    }) : () -> ()
    %dma_start3A = arith.constant 0 : i32
    %dma_start3A_5 = arith.constant 0 : i32
    %dma_start3A_6 = arith.constant 0 : i32
    %dma_start3A_7 = arith.constant 0 : i32
    %dma_start3A_8 = arith.constant 0 : i32
    %dma_start3A_9 = tpu.memref_slice %arg6[%dma_start3A_5, %dma_start3A_7, %dma_start3A_8] : memref<6x128x128xf32, #tpu.memory_space<vmem>> -> memref<1x128x128xf32, #tpu.memory_space<vmem>>
    %dma_start3A_10 = tpu.memref_squeeze %dma_start3A_9 : memref<1x128x128xf32, #tpu.memory_space<vmem>> -> memref<128x128xf32, #tpu.memory_space<vmem>>
    %dma_start3A_11 = arith.constant 0 : i32
    %dma_start3A_12 = tpu.memref_slice %arg5[%dma_start3A, %dma_start3A_11] : memref<200x128xi32, #tpu.memory_space<vmem>> -> memref<1x128xi32, #tpu.memory_space<vmem>>
    %dma_start3A_13 = tpu.memref_squeeze %dma_start3A_12 : memref<1x128xi32, #tpu.memory_space<vmem>> -> memref<128xi32, #tpu.memory_space<vmem>>
    %dma_start3A_14 = arith.constant 0 : i32
    %dma_start3A_15 = arith.constant 0 : i32
    %dma_start3A_16 = tpu.memref_slice %arg2[%dma_start3A_14, %dma_start3A_15] : memref<100000x128xf32, #tpu.memory_space<hbm>> -> memref<100000x128xf32, #tpu.memory_space<hbm>>
    %dma_start3A_17 = tpu.memref_slice %arg7[%dma_start3A_6] : memref<6x!tpu.dma_semaphore, #tpu.memory_space<semaphore_mem>> -> memref<1x!tpu.dma_semaphore, #tpu.memory_space<semaphore_mem>>
    %dma_start3A_18 = tpu.memref_squeeze %dma_start3A_17 : memref<1x!tpu.dma_semaphore, #tpu.memory_space<semaphore_mem>> -> memref<!tpu.dma_semaphore, #tpu.memory_space<semaphore_mem>>
    tpu.enqueue_indirect_dma source(%dma_start3A_16 : memref<100000x128xf32, #tpu.memory_space<hbm>>) target(%dma_start3A_10 : memref<128x128xf32, #tpu.memory_space<vmem>>) offsets(%dma_start3A_13 : memref<128xi32, #tpu.memory_space<vmem>>) semaphore(%dma_start3A_18 : memref<!tpu.dma_semaphore, #tpu.memory_space<semaphore_mem>>)
    %dma_start3A_19 = arith.constant 1 : i32
    %dma_start3A_20 = arith.constant 1 : i32
    %dma_start3A_21 = arith.constant 1 : i32
    %dma_start3A_22 = arith.constant 0 : i32
    %dma_start3A_23 = arith.constant 0 : i32
    %dma_start3A_24 = tpu.memref_slice %arg6[%dma_start3A_20, %dma_start3A_22, %dma_start3A_23] : memref<6x128x128xf32, #tpu.memory_space<vmem>> -> memref<1x128x128xf32, #tpu.memory_space<vmem>>
    %dma_start3A_25 = tpu.memref_squeeze %dma_start3A_24 : memref<1x128x128xf32, #tpu.memory_space<vmem>> -> memref<128x128xf32, #tpu.memory_space<vmem>>
    %dma_start3A_26 = arith.constant 0 : i32
    %dma_start3A_27 = tpu.memref_slice %arg5[%dma_start3A_19, %dma_start3A_26] : memref<200x128xi32, #tpu.memory_space<vmem>> -> memref<1x128xi32, #tpu.memory_space<vmem>>
    %dma_start3A_28 = tpu.memref_squeeze %dma_start3A_27 : memref<1x128xi32, #tpu.memory_space<vmem>> -> memref<128xi32, #tpu.memory_space<vmem>>
    %dma_start3A_29 = arith.constant 0 : i32
    %dma_start3A_30 = arith.constant 0 : i32
    %dma_start3A_31 = tpu.memref_slice %arg2[%dma_start3A_29, %dma_start3A_30] : memref<100000x128xf32, #tpu.memory_space<hbm>> -> memref<100000x128xf32, #tpu.memory_space<hbm>>
    %dma_start3A_32 = tpu.memref_slice %arg7[%dma_start3A_21] : memref<6x!tpu.dma_semaphore, #tpu.memory_space<semaphore_mem>> -> memref<1x!tpu.dma_semaphore, #tpu.memory_space<semaphore_mem>>
    %dma_start3A_33 = tpu.memref_squeeze %dma_start3A_32 : memref<1x!tpu.dma_semaphore, #tpu.memory_space<semaphore_mem>> -> memref<!tpu.dma_semaphore, #tpu.memory_space<semaphore_mem>>
    tpu.enqueue_indirect_dma source(%dma_start3A_31 : memref<100000x128xf32, #tpu.memory_space<hbm>>) target(%dma_start3A_25 : memref<128x128xf32, #tpu.memory_space<vmem>>) offsets(%dma_start3A_28 : memref<128xi32, #tpu.memory_space<vmem>>) semaphore(%dma_start3A_33 : memref<!tpu.dma_semaphore, #tpu.memory_space<semaphore_mem>>)
    %dma_start3A_34 = arith.constant 2 : i32
    %dma_start3A_35 = arith.constant 2 : i32
    %dma_start3A_36 = arith.constant 2 : i32
    %dma_start3A_37 = arith.constant 0 : i32
    %dma_start3A_38 = arith.constant 0 : i32
    %dma_start3A_39 = tpu.memref_slice %arg6[%dma_start3A_35, %dma_start3A_37, %dma_start3A_38] : memref<6x128x128xf32, #tpu.memory_space<vmem>> -> memref<1x128x128xf32, #tpu.memory_space<vmem>>
    %dma_start3A_40 = tpu.memref_squeeze %dma_start3A_39 : memref<1x128x128xf32, #tpu.memory_space<vmem>> -> memref<128x128xf32, #tpu.memory_space<vmem>>
    %dma_start3A_41 = arith.constant 0 : i32
    %dma_start3A_42 = tpu.memref_slice %arg5[%dma_start3A_34, %dma_start3A_41] : memref<200x128xi32, #tpu.memory_space<vmem>> -> memref<1x128xi32, #tpu.memory_space<vmem>>
    %dma_start3A_43 = tpu.memref_squeeze %dma_start3A_42 : memref<1x128xi32, #tpu.memory_space<vmem>> -> memref<128xi32, #tpu.memory_space<vmem>>
    %dma_start3A_44 = arith.constant 0 : i32
    %dma_start3A_45 = arith.constant 0 : i32
    %dma_start3A_46 = tpu.memref_slice %arg2[%dma_start3A_44, %dma_start3A_45] : memref<100000x128xf32, #tpu.memory_space<hbm>> -> memref<100000x128xf32, #tpu.memory_space<hbm>>
    %dma_start3A_47 = tpu.memref_slice %arg7[%dma_start3A_36] : memref<6x!tpu.dma_semaphore, #tpu.memory_space<semaphore_mem>> -> memref<1x!tpu.dma_semaphore, #tpu.memory_space<semaphore_mem>>
    %dma_start3A_48 = tpu.memref_squeeze %dma_start3A_47 : memref<1x!tpu.dma_semaphore, #tpu.memory_space<semaphore_mem>> -> memref<!tpu.dma_semaphore, #tpu.memory_space<semaphore_mem>>
    tpu.enqueue_indirect_dma source(%dma_start3A_46 : memref<100000x128xf32, #tpu.memory_space<hbm>>) target(%dma_start3A_40 : memref<128x128xf32, #tpu.memory_space<vmem>>) offsets(%dma_start3A_43 : memref<128xi32, #tpu.memory_space<vmem>>) semaphore(%dma_start3A_48 : memref<!tpu.dma_semaphore, #tpu.memory_space<semaphore_mem>>)
    %dma_start3A_49 = arith.constant 3 : i32
    %dma_start3A_50 = arith.constant 3 : i32
    %dma_start3A_51 = arith.constant 3 : i32
    %dma_start3A_52 = arith.constant 0 : i32
    %dma_start3A_53 = arith.constant 0 : i32
    %dma_start3A_54 = tpu.memref_slice %arg6[%dma_start3A_50, %dma_start3A_52, %dma_start3A_53] : memref<6x128x128xf32, #tpu.memory_space<vmem>> -> memref<1x128x128xf32, #tpu.memory_space<vmem>>
    %dma_start3A_55 = tpu.memref_squeeze %dma_start3A_54 : memref<1x128x128xf32, #tpu.memory_space<vmem>> -> memref<128x128xf32, #tpu.memory_space<vmem>>
    %dma_start3A_56 = arith.constant 0 : i32
    %dma_start3A_57 = tpu.memref_slice %arg5[%dma_start3A_49, %dma_start3A_56] : memref<200x128xi32, #tpu.memory_space<vmem>> -> memref<1x128xi32, #tpu.memory_space<vmem>>
    %dma_start3A_58 = tpu.memref_squeeze %dma_start3A_57 : memref<1x128xi32, #tpu.memory_space<vmem>> -> memref<128xi32, #tpu.memory_space<vmem>>
    %dma_start3A_59 = arith.constant 0 : i32
    %dma_start3A_60 = arith.constant 0 : i32
    %dma_start3A_61 = tpu.memref_slice %arg2[%dma_start3A_59, %dma_start3A_60] : memref<100000x128xf32, #tpu.memory_space<hbm>> -> memref<100000x128xf32, #tpu.memory_space<hbm>>
    %dma_start3A_62 = tpu.memref_slice %arg7[%dma_start3A_51] : memref<6x!tpu.dma_semaphore, #tpu.memory_space<semaphore_mem>> -> memref<1x!tpu.dma_semaphore, #tpu.memory_space<semaphore_mem>>
    %dma_start3A_63 = tpu.memref_squeeze %dma_start3A_62 : memref<1x!tpu.dma_semaphore, #tpu.memory_space<semaphore_mem>> -> memref<!tpu.dma_semaphore, #tpu.memory_space<semaphore_mem>>
    tpu.enqueue_indirect_dma source(%dma_start3A_61 : memref<100000x128xf32, #tpu.memory_space<hbm>>) target(%dma_start3A_55 : memref<128x128xf32, #tpu.memory_space<vmem>>) offsets(%dma_start3A_58 : memref<128xi32, #tpu.memory_space<vmem>>) semaphore(%dma_start3A_63 : memref<!tpu.dma_semaphore, #tpu.memory_space<semaphore_mem>>)
    %dma_start3A_64 = arith.constant 4 : i32
    %dma_start3A_65 = arith.constant 4 : i32
    %dma_start3A_66 = arith.constant 4 : i32
    %dma_start3A_67 = arith.constant 0 : i32
    %dma_start3A_68 = arith.constant 0 : i32
    %dma_start3A_69 = tpu.memref_slice %arg6[%dma_start3A_65, %dma_start3A_67, %dma_start3A_68] : memref<6x128x128xf32, #tpu.memory_space<vmem>> -> memref<1x128x128xf32, #tpu.memory_space<vmem>>
    %dma_start3A_70 = tpu.memref_squeeze %dma_start3A_69 : memref<1x128x128xf32, #tpu.memory_space<vmem>> -> memref<128x128xf32, #tpu.memory_space<vmem>>
    %dma_start3A_71 = arith.constant 0 : i32
    %dma_start3A_72 = tpu.memref_slice %arg5[%dma_start3A_64, %dma_start3A_71] : memref<200x128xi32, #tpu.memory_space<vmem>> -> memref<1x128xi32, #tpu.memory_space<vmem>>
    %dma_start3A_73 = tpu.memref_squeeze %dma_start3A_72 : memref<1x128xi32, #tpu.memory_space<vmem>> -> memref<128xi32, #tpu.memory_space<vmem>>
    %dma_start3A_74 = arith.constant 0 : i32
    %dma_start3A_75 = arith.constant 0 : i32
    %dma_start3A_76 = tpu.memref_slice %arg2[%dma_start3A_74, %dma_start3A_75] : memref<100000x128xf32, #tpu.memory_space<hbm>> -> memref<100000x128xf32, #tpu.memory_space<hbm>>
    %dma_start3A_77 = tpu.memref_slice %arg7[%dma_start3A_66] : memref<6x!tpu.dma_semaphore, #tpu.memory_space<semaphore_mem>> -> memref<1x!tpu.dma_semaphore, #tpu.memory_space<semaphore_mem>>
    %dma_start3A_78 = tpu.memref_squeeze %dma_start3A_77 : memref<1x!tpu.dma_semaphore, #tpu.memory_space<semaphore_mem>> -> memref<!tpu.dma_semaphore, #tpu.memory_space<semaphore_mem>>
    tpu.enqueue_indirect_dma source(%dma_start3A_76 : memref<100000x128xf32, #tpu.memory_space<hbm>>) target(%dma_start3A_70 : memref<128x128xf32, #tpu.memory_space<vmem>>) offsets(%dma_start3A_73 : memref<128xi32, #tpu.memory_space<vmem>>) semaphore(%dma_start3A_78 : memref<!tpu.dma_semaphore, #tpu.memory_space<semaphore_mem>>)
    %scan3A = arith.constant 0 : i32
    %scan3A_79 = arith.constant 0 : i32
    %scan3A_80 = arith.constant 200 : i32
    %scan3A_81 = arith.addi %scan3A_79, %scan3A_80 : i32
    %scan3A_82 = arith.constant 1 : i32
    scf.for %scan3A_191 = %scan3A_79 to %scan3A_81 step %scan3A_82  : i32 {
      %rem3A = arith.constant 6 : i32
      %rem3A_192 = arith.remsi %scan3A_191, %rem3A : i32
      %dma_wait3A_193 = arith.constant 0 : i32
      %dma_wait3A_194 = arith.constant 0 : i32
      %dma_wait3A_195 = tpu.memref_slice %arg6[%rem3A_192, %dma_wait3A_193, %dma_wait3A_194] : memref<6x128x128xf32, #tpu.memory_space<vmem>> -> memref<1x128x128xf32, #tpu.memory_space<vmem>>
      %dma_wait3A_196 = tpu.memref_squeeze %dma_wait3A_195 : memref<1x128x128xf32, #tpu.memory_space<vmem>> -> memref<128x128xf32, #tpu.memory_space<vmem>>
      %dma_wait3A_197 = arith.constant 0 : i32
      %dma_wait3A_198 = tpu.memref_slice %arg5[%scan3A_191, %dma_wait3A_197] : memref<200x128xi32, #tpu.memory_space<vmem>> -> memref<1x128xi32, #tpu.memory_space<vmem>>
      %dma_wait3A_199 = tpu.memref_squeeze %dma_wait3A_198 : memref<1x128xi32, #tpu.memory_space<vmem>> -> memref<128xi32, #tpu.memory_space<vmem>>
      %dma_wait3A_200 = arith.constant 0 : i32
      %dma_wait3A_201 = arith.constant 0 : i32
      %dma_wait3A_202 = tpu.memref_slice %arg2[%dma_wait3A_200, %dma_wait3A_201] : memref<100000x128xf32, #tpu.memory_space<hbm>> -> memref<100000x128xf32, #tpu.memory_space<hbm>>
      %dma_wait3A_203 = tpu.memref_slice %arg7[%rem3A_192] : memref<6x!tpu.dma_semaphore, #tpu.memory_space<semaphore_mem>> -> memref<1x!tpu.dma_semaphore, #tpu.memory_space<semaphore_mem>>
      %dma_wait3A_204 = tpu.memref_squeeze %dma_wait3A_203 : memref<1x!tpu.dma_semaphore, #tpu.memory_space<semaphore_mem>> -> memref<!tpu.dma_semaphore, #tpu.memory_space<semaphore_mem>>
      tpu.wait_indirect_dma semaphore(%dma_wait3A_204 : memref<!tpu.dma_semaphore, #tpu.memory_space<semaphore_mem>>) src(%dma_wait3A_202 : memref<100000x128xf32, #tpu.memory_space<hbm>>) dst(%dma_wait3A_196 : memref<128x128xf32, #tpu.memory_space<vmem>>)
      %mul3A_205 = arith.constant 128 : i32
      %mul3A_206 = arith.muli %scan3A_191, %mul3A_205 : i32
      %add3A_207 = arith.addi %mul3A_2, %mul3A_206 : i32
      %dma_start3A_208 = arith.constant 0 : i32
      %dma_start3A_209 = arith.constant 0 : i32
      %dma_start3A_210 = tpu.memref_slice %arg6[%rem3A_192, %dma_start3A_208, %dma_start3A_209] : memref<6x128x128xf32, #tpu.memory_space<vmem>> -> memref<1x128x128xf32, #tpu.memory_space<vmem>>
      %dma_start3A_211 = tpu.memref_squeeze %dma_start3A_210 : memref<1x128x128xf32, #tpu.memory_space<vmem>> -> memref<128x128xf32, #tpu.memory_space<vmem>>
      %dma_start3A_212 = arith.constant 0 : i32
      %dma_start3A_213 = tpu.memref_slice %arg4[%add3A_207, %dma_start3A_212] : memref<819200x128xf32, #tpu.memory_space<hbm>> -> memref<128x128xf32, #tpu.memory_space<hbm>>
      %dma_start3A_214 = tpu.memref_slice %arg8[%rem3A_192] : memref<6x!tpu.dma_semaphore, #tpu.memory_space<semaphore_mem>> -> memref<1x!tpu.dma_semaphore, #tpu.memory_space<semaphore_mem>>
      %dma_start3A_215 = tpu.memref_squeeze %dma_start3A_214 : memref<1x!tpu.dma_semaphore, #tpu.memory_space<semaphore_mem>> -> memref<!tpu.dma_semaphore, #tpu.memory_space<semaphore_mem>>
      %dma_start3A_216 = arith.constant 0 : i32
      %dma_start3A_217 = tpu.memref_slice %arg4[%add3A_207, %dma_start3A_216] : memref<819200x128xf32, #tpu.memory_space<hbm>> -> memref<128x128xf32, #tpu.memory_space<hbm>>
      %dma_start3A_218 = arith.constant 0 : i32
      %dma_start3A_219 = arith.constant 0 : i32
      %dma_start3A_220 = tpu.memref_slice %arg6[%rem3A_192, %dma_start3A_218, %dma_start3A_219] : memref<6x128x128xf32, #tpu.memory_space<vmem>> -> memref<1x128x128xf32, #tpu.memory_space<vmem>>
      %dma_start3A_221 = tpu.memref_squeeze %dma_start3A_220 : memref<1x128x128xf32, #tpu.memory_space<vmem>> -> memref<128x128xf32, #tpu.memory_space<vmem>>
      tpu.enqueue_dma source(%dma_start3A_221 : memref<128x128xf32, #tpu.memory_space<vmem>>) target(%dma_start3A_217 : memref<128x128xf32, #tpu.memory_space<hbm>>) target_semaphore(%dma_start3A_215 : memref<!tpu.dma_semaphore, #tpu.memory_space<semaphore_mem>>)
      %add3A_222 = arith.constant 5 : i32
      %add3A_223 = arith.addi %scan3A_191, %add3A_222 : i32
      %lt3A = arith.constant 200 : i32
      %lt3A_224 = arith.cmpi slt, %add3A_223, %lt3A : i32
      %convert_element_type3A = arith.extui %lt3A_224 : i1 to i32
      %cond3A = arith.constant 0 : i32
      %cond3A_225 = arith.cmpi ne, %convert_element_type3A, %cond3A : i32
      scf.if %cond3A_225 {
        %rem3A_226 = arith.constant 6 : i32
        %rem3A_227 = arith.remsi %add3A_223, %rem3A_226 : i32
        %ge3A = arith.constant 6 : i32
        %ge3A_228 = arith.cmpi sge, %add3A_223, %ge3A : i32
        %convert_element_type3A_229 = arith.extui %ge3A_228 : i1 to i32
        %cond3A_230 = arith.constant 0 : i32
        %cond3A_231 = arith.cmpi ne, %convert_element_type3A_229, %cond3A_230 : i32
        scf.if %cond3A_231 {
          %sub3A = arith.constant 6 : i32
          %sub3A_244 = arith.subi %add3A_223, %sub3A : i32
          %mul3A_245 = arith.constant 128 : i32
          %mul3A_246 = arith.muli %sub3A_244, %mul3A_245 : i32
          %add3A_247 = arith.addi %mul3A_2, %mul3A_246 : i32
          %dma_wait3A_248 = arith.constant 0 : i32
          %dma_wait3A_249 = arith.constant 0 : i32
          %dma_wait3A_250 = tpu.memref_slice %arg6[%rem3A_227, %dma_wait3A_248, %dma_wait3A_249] : memref<6x128x128xf32, #tpu.memory_space<vmem>> -> memref<1x128x128xf32, #tpu.memory_space<vmem>>
          %dma_wait3A_251 = tpu.memref_squeeze %dma_wait3A_250 : memref<1x128x128xf32, #tpu.memory_space<vmem>> -> memref<128x128xf32, #tpu.memory_space<vmem>>
          %dma_wait3A_252 = arith.constant 0 : i32
          %dma_wait3A_253 = tpu.memref_slice %arg4[%add3A_247, %dma_wait3A_252] : memref<819200x128xf32, #tpu.memory_space<hbm>> -> memref<128x128xf32, #tpu.memory_space<hbm>>
          %dma_wait3A_254 = tpu.memref_slice %arg8[%rem3A_227] : memref<6x!tpu.dma_semaphore, #tpu.memory_space<semaphore_mem>> -> memref<1x!tpu.dma_semaphore, #tpu.memory_space<semaphore_mem>>
          %dma_wait3A_255 = tpu.memref_squeeze %dma_wait3A_254 : memref<1x!tpu.dma_semaphore, #tpu.memory_space<semaphore_mem>> -> memref<!tpu.dma_semaphore, #tpu.memory_space<semaphore_mem>>
          %dma_wait3A_256 = arith.constant 0 : i32
          %dma_wait3A_257 = tpu.memref_slice %arg4[%add3A_247, %dma_wait3A_256] : memref<819200x128xf32, #tpu.memory_space<hbm>> -> memref<128x128xf32, #tpu.memory_space<hbm>>
          %dma_wait3A_258 = arith.constant 0 : i32
          %dma_wait3A_259 = arith.constant 0 : i32
          %dma_wait3A_260 = tpu.memref_slice %arg6[%rem3A_227, %dma_wait3A_258, %dma_wait3A_259] : memref<6x128x128xf32, #tpu.memory_space<vmem>> -> memref<1x128x128xf32, #tpu.memory_space<vmem>>
          %dma_wait3A_261 = tpu.memref_squeeze %dma_wait3A_260 : memref<1x128x128xf32, #tpu.memory_space<vmem>> -> memref<128x128xf32, #tpu.memory_space<vmem>>
          tpu.wait_dma2 semaphore(%dma_wait3A_255 : memref<!tpu.dma_semaphore, #tpu.memory_space<semaphore_mem>>) src(%dma_wait3A_261 : memref<128x128xf32, #tpu.memory_space<vmem>>) dst(%dma_wait3A_257 : memref<128x128xf32, #tpu.memory_space<hbm>>)
        } else {
        }
        %dma_start3A_232 = arith.constant 0 : i32
        %dma_start3A_233 = arith.constant 0 : i32
        %dma_start3A_234 = tpu.memref_slice %arg6[%rem3A_227, %dma_start3A_232, %dma_start3A_233] : memref<6x128x128xf32, #tpu.memory_space<vmem>> -> memref<1x128x128xf32, #tpu.memory_space<vmem>>
        %dma_start3A_235 = tpu.memref_squeeze %dma_start3A_234 : memref<1x128x128xf32, #tpu.memory_space<vmem>> -> memref<128x128xf32, #tpu.memory_space<vmem>>
        %dma_start3A_236 = arith.constant 0 : i32
        %dma_start3A_237 = tpu.memref_slice %arg5[%add3A_223, %dma_start3A_236] : memref<200x128xi32, #tpu.memory_space<vmem>> -> memref<1x128xi32, #tpu.memory_space<vmem>>
        %dma_start3A_238 = tpu.memref_squeeze %dma_start3A_237 : memref<1x128xi32, #tpu.memory_space<vmem>> -> memref<128xi32, #tpu.memory_space<vmem>>
        %dma_start3A_239 = arith.constant 0 : i32
        %dma_start3A_240 = arith.constant 0 : i32
        %dma_start3A_241 = tpu.memref_slice %arg2[%dma_start3A_239, %dma_start3A_240] : memref<100000x128xf32, #tpu.memory_space<hbm>> -> memref<100000x128xf32, #tpu.memory_space<hbm>>
        %dma_start3A_242 = tpu.memref_slice %arg7[%rem3A_227] : memref<6x!tpu.dma_semaphore, #tpu.memory_space<semaphore_mem>> -> memref<1x!tpu.dma_semaphore, #tpu.memory_space<semaphore_mem>>
        %dma_start3A_243 = tpu.memref_squeeze %dma_start3A_242 : memref<1x!tpu.dma_semaphore, #tpu.memory_space<semaphore_mem>> -> memref<!tpu.dma_semaphore, #tpu.memory_space<semaphore_mem>>
        tpu.enqueue_indirect_dma source(%dma_start3A_241 : memref<100000x128xf32, #tpu.memory_space<hbm>>) target(%dma_start3A_235 : memref<128x128xf32, #tpu.memory_space<vmem>>) offsets(%dma_start3A_238 : memref<128xi32, #tpu.memory_space<vmem>>) semaphore(%dma_start3A_243 : memref<!tpu.dma_semaphore, #tpu.memory_space<semaphore_mem>>)
      } else {
      }
    }
    %scan3A_83 = arith.constant 200 : i32
    %add3A_84 = arith.constant 24832 : i32
    %add3A_85 = arith.addi %mul3A_2, %add3A_84 : i32
    %dma_wait3A = arith.constant 2 : i32
    %dma_wait3A_86 = arith.constant 2 : i32
    %dma_wait3A_87 = arith.constant 0 : i32
    %dma_wait3A_88 = arith.constant 0 : i32
    %dma_wait3A_89 = tpu.memref_slice %arg6[%dma_wait3A, %dma_wait3A_87, %dma_wait3A_88] : memref<6x128x128xf32, #tpu.memory_space<vmem>> -> memref<1x128x128xf32, #tpu.memory_space<vmem>>
    %dma_wait3A_90 = tpu.memref_squeeze %dma_wait3A_89 : memref<1x128x128xf32, #tpu.memory_space<vmem>> -> memref<128x128xf32, #tpu.memory_space<vmem>>
    %dma_wait3A_91 = arith.constant 0 : i32
    %dma_wait3A_92 = tpu.memref_slice %arg4[%add3A_85, %dma_wait3A_91] : memref<819200x128xf32, #tpu.memory_space<hbm>> -> memref<128x128xf32, #tpu.memory_space<hbm>>
    %dma_wait3A_93 = tpu.memref_slice %arg8[%dma_wait3A_86] : memref<6x!tpu.dma_semaphore, #tpu.memory_space<semaphore_mem>> -> memref<1x!tpu.dma_semaphore, #tpu.memory_space<semaphore_mem>>
    %dma_wait3A_94 = tpu.memref_squeeze %dma_wait3A_93 : memref<1x!tpu.dma_semaphore, #tpu.memory_space<semaphore_mem>> -> memref<!tpu.dma_semaphore, #tpu.memory_space<semaphore_mem>>
    %dma_wait3A_95 = arith.constant 0 : i32
    %dma_wait3A_96 = tpu.memref_slice %arg4[%add3A_85, %dma_wait3A_95] : memref<819200x128xf32, #tpu.memory_space<hbm>> -> memref<128x128xf32, #tpu.memory_space<hbm>>
    %dma_wait3A_97 = arith.constant 0 : i32
    %dma_wait3A_98 = arith.constant 0 : i32
    %dma_wait3A_99 = tpu.memref_slice %arg6[%dma_wait3A, %dma_wait3A_97, %dma_wait3A_98] : memref<6x128x128xf32, #tpu.memory_space<vmem>> -> memref<1x128x128xf32, #tpu.memory_space<vmem>>
    %dma_wait3A_100 = tpu.memref_squeeze %dma_wait3A_99 : memref<1x128x128xf32, #tpu.memory_space<vmem>> -> memref<128x128xf32, #tpu.memory_space<vmem>>
    tpu.wait_dma2 semaphore(%dma_wait3A_94 : memref<!tpu.dma_semaphore, #tpu.memory_space<semaphore_mem>>) src(%dma_wait3A_100 : memref<128x128xf32, #tpu.memory_space<vmem>>) dst(%dma_wait3A_96 : memref<128x128xf32, #tpu.memory_space<hbm>>)
    %add3A_101 = arith.constant 24960 : i32
    %add3A_102 = arith.addi %mul3A_2, %add3A_101 : i32
    %dma_wait3A_103 = arith.constant 3 : i32
    %dma_wait3A_104 = arith.constant 3 : i32
    %dma_wait3A_105 = arith.constant 0 : i32
    %dma_wait3A_106 = arith.constant 0 : i32
    %dma_wait3A_107 = tpu.memref_slice %arg6[%dma_wait3A_103, %dma_wait3A_105, %dma_wait3A_106] : memref<6x128x128xf32, #tpu.memory_space<vmem>> -> memref<1x128x128xf32, #tpu.memory_space<vmem>>
    %dma_wait3A_108 = tpu.memref_squeeze %dma_wait3A_107 : memref<1x128x128xf32, #tpu.memory_space<vmem>> -> memref<128x128xf32, #tpu.memory_space<vmem>>
    %dma_wait3A_109 = arith.constant 0 : i32
    %dma_wait3A_110 = tpu.memref_slice %arg4[%add3A_102, %dma_wait3A_109] : memref<819200x128xf32, #tpu.memory_space<hbm>> -> memref<128x128xf32, #tpu.memory_space<hbm>>
    %dma_wait3A_111 = tpu.memref_slice %arg8[%dma_wait3A_104] : memref<6x!tpu.dma_semaphore, #tpu.memory_space<semaphore_mem>> -> memref<1x!tpu.dma_semaphore, #tpu.memory_space<semaphore_mem>>
    %dma_wait3A_112 = tpu.memref_squeeze %dma_wait3A_111 : memref<1x!tpu.dma_semaphore, #tpu.memory_space<semaphore_mem>> -> memref<!tpu.dma_semaphore, #tpu.memory_space<semaphore_mem>>
    %dma_wait3A_113 = arith.constant 0 : i32
    %dma_wait3A_114 = tpu.memref_slice %arg4[%add3A_102, %dma_wait3A_113] : memref<819200x128xf32, #tpu.memory_space<hbm>> -> memref<128x128xf32, #tpu.memory_space<hbm>>
    %dma_wait3A_115 = arith.constant 0 : i32
    %dma_wait3A_116 = arith.constant 0 : i32
    %dma_wait3A_117 = tpu.memref_slice %arg6[%dma_wait3A_103, %dma_wait3A_115, %dma_wait3A_116] : memref<6x128x128xf32, #tpu.memory_space<vmem>> -> memref<1x128x128xf32, #tpu.memory_space<vmem>>
    %dma_wait3A_118 = tpu.memref_squeeze %dma_wait3A_117 : memref<1x128x128xf32, #tpu.memory_space<vmem>> -> memref<128x128xf32, #tpu.memory_space<vmem>>
    tpu.wait_dma2 semaphore(%dma_wait3A_112 : memref<!tpu.dma_semaphore, #tpu.memory_space<semaphore_mem>>) src(%dma_wait3A_118 : memref<128x128xf32, #tpu.memory_space<vmem>>) dst(%dma_wait3A_114 : memref<128x128xf32, #tpu.memory_space<hbm>>)
    %add3A_119 = arith.constant 25088 : i32
    %add3A_120 = arith.addi %mul3A_2, %add3A_119 : i32
    %dma_wait3A_121 = arith.constant 4 : i32
    %dma_wait3A_122 = arith.constant 4 : i32
    %dma_wait3A_123 = arith.constant 0 : i32
    %dma_wait3A_124 = arith.constant 0 : i32
    %dma_wait3A_125 = tpu.memref_slice %arg6[%dma_wait3A_121, %dma_wait3A_123, %dma_wait3A_124] : memref<6x128x128xf32, #tpu.memory_space<vmem>> -> memref<1x128x128xf32, #tpu.memory_space<vmem>>
    %dma_wait3A_126 = tpu.memref_squeeze %dma_wait3A_125 : memref<1x128x128xf32, #tpu.memory_space<vmem>> -> memref<128x128xf32, #tpu.memory_space<vmem>>
    %dma_wait3A_127 = arith.constant 0 : i32
    %dma_wait3A_128 = tpu.memref_slice %arg4[%add3A_120, %dma_wait3A_127] : memref<819200x128xf32, #tpu.memory_space<hbm>> -> memref<128x128xf32, #tpu.memory_space<hbm>>
    %dma_wait3A_129 = tpu.memref_slice %arg8[%dma_wait3A_122] : memref<6x!tpu.dma_semaphore, #tpu.memory_space<semaphore_mem>> -> memref<1x!tpu.dma_semaphore, #tpu.memory_space<semaphore_mem>>
    %dma_wait3A_130 = tpu.memref_squeeze %dma_wait3A_129 : memref<1x!tpu.dma_semaphore, #tpu.memory_space<semaphore_mem>> -> memref<!tpu.dma_semaphore, #tpu.memory_space<semaphore_mem>>
    %dma_wait3A_131 = arith.constant 0 : i32
    %dma_wait3A_132 = tpu.memref_slice %arg4[%add3A_120, %dma_wait3A_131] : memref<819200x128xf32, #tpu.memory_space<hbm>> -> memref<128x128xf32, #tpu.memory_space<hbm>>
    %dma_wait3A_133 = arith.constant 0 : i32
    %dma_wait3A_134 = arith.constant 0 : i32
    %dma_wait3A_135 = tpu.memref_slice %arg6[%dma_wait3A_121, %dma_wait3A_133, %dma_wait3A_134] : memref<6x128x128xf32, #tpu.memory_space<vmem>> -> memref<1x128x128xf32, #tpu.memory_space<vmem>>
    %dma_wait3A_136 = tpu.memref_squeeze %dma_wait3A_135 : memref<1x128x128xf32, #tpu.memory_space<vmem>> -> memref<128x128xf32, #tpu.memory_space<vmem>>
    tpu.wait_dma2 semaphore(%dma_wait3A_130 : memref<!tpu.dma_semaphore, #tpu.memory_space<semaphore_mem>>) src(%dma_wait3A_136 : memref<128x128xf32, #tpu.memory_space<vmem>>) dst(%dma_wait3A_132 : memref<128x128xf32, #tpu.memory_space<hbm>>)
    %add3A_137 = arith.constant 25216 : i32
    %add3A_138 = arith.addi %mul3A_2, %add3A_137 : i32
    %dma_wait3A_139 = arith.constant 5 : i32
    %dma_wait3A_140 = arith.constant 5 : i32
    %dma_wait3A_141 = arith.constant 0 : i32
    %dma_wait3A_142 = arith.constant 0 : i32
    %dma_wait3A_143 = tpu.memref_slice %arg6[%dma_wait3A_139, %dma_wait3A_141, %dma_wait3A_142] : memref<6x128x128xf32, #tpu.memory_space<vmem>> -> memref<1x128x128xf32, #tpu.memory_space<vmem>>
    %dma_wait3A_144 = tpu.memref_squeeze %dma_wait3A_143 : memref<1x128x128xf32, #tpu.memory_space<vmem>> -> memref<128x128xf32, #tpu.memory_space<vmem>>
    %dma_wait3A_145 = arith.constant 0 : i32
    %dma_wait3A_146 = tpu.memref_slice %arg4[%add3A_138, %dma_wait3A_145] : memref<819200x128xf32, #tpu.memory_space<hbm>> -> memref<128x128xf32, #tpu.memory_space<hbm>>
    %dma_wait3A_147 = tpu.memref_slice %arg8[%dma_wait3A_140] : memref<6x!tpu.dma_semaphore, #tpu.memory_space<semaphore_mem>> -> memref<1x!tpu.dma_semaphore, #tpu.memory_space<semaphore_mem>>
    %dma_wait3A_148 = tpu.memref_squeeze %dma_wait3A_147 : memref<1x!tpu.dma_semaphore, #tpu.memory_space<semaphore_mem>> -> memref<!tpu.dma_semaphore, #tpu.memory_space<semaphore_mem>>
    %dma_wait3A_149 = arith.constant 0 : i32
    %dma_wait3A_150 = tpu.memref_slice %arg4[%add3A_138, %dma_wait3A_149] : memref<819200x128xf32, #tpu.memory_space<hbm>> -> memref<128x128xf32, #tpu.memory_space<hbm>>
    %dma_wait3A_151 = arith.constant 0 : i32
    %dma_wait3A_152 = arith.constant 0 : i32
    %dma_wait3A_153 = tpu.memref_slice %arg6[%dma_wait3A_139, %dma_wait3A_151, %dma_wait3A_152] : memref<6x128x128xf32, #tpu.memory_space<vmem>> -> memref<1x128x128xf32, #tpu.memory_space<vmem>>
    %dma_wait3A_154 = tpu.memref_squeeze %dma_wait3A_153 : memref<1x128x128xf32, #tpu.memory_space<vmem>> -> memref<128x128xf32, #tpu.memory_space<vmem>>
    tpu.wait_dma2 semaphore(%dma_wait3A_148 : memref<!tpu.dma_semaphore, #tpu.memory_space<semaphore_mem>>) src(%dma_wait3A_154 : memref<128x128xf32, #tpu.memory_space<vmem>>) dst(%dma_wait3A_150 : memref<128x128xf32, #tpu.memory_space<hbm>>)
    %add3A_155 = arith.constant 25344 : i32
    %add3A_156 = arith.addi %mul3A_2, %add3A_155 : i32
    %dma_wait3A_157 = arith.constant 0 : i32
    %dma_wait3A_158 = arith.constant 0 : i32
    %dma_wait3A_159 = arith.constant 0 : i32
    %dma_wait3A_160 = arith.constant 0 : i32
    %dma_wait3A_161 = tpu.memref_slice %arg6[%dma_wait3A_157, %dma_wait3A_159, %dma_wait3A_160] : memref<6x128x128xf32, #tpu.memory_space<vmem>> -> memref<1x128x128xf32, #tpu.memory_space<vmem>>
    %dma_wait3A_162 = tpu.memref_squeeze %dma_wait3A_161 : memref<1x128x128xf32, #tpu.memory_space<vmem>> -> memref<128x128xf32, #tpu.memory_space<vmem>>
    %dma_wait3A_163 = arith.constant 0 : i32
    %dma_wait3A_164 = tpu.memref_slice %arg4[%add3A_156, %dma_wait3A_163] : memref<819200x128xf32, #tpu.memory_space<hbm>> -> memref<128x128xf32, #tpu.memory_space<hbm>>
    %dma_wait3A_165 = tpu.memref_slice %arg8[%dma_wait3A_158] : memref<6x!tpu.dma_semaphore, #tpu.memory_space<semaphore_mem>> -> memref<1x!tpu.dma_semaphore, #tpu.memory_space<semaphore_mem>>
    %dma_wait3A_166 = tpu.memref_squeeze %dma_wait3A_165 : memref<1x!tpu.dma_semaphore, #tpu.memory_space<semaphore_mem>> -> memref<!tpu.dma_semaphore, #tpu.memory_space<semaphore_mem>>
    %dma_wait3A_167 = arith.constant 0 : i32
    %dma_wait3A_168 = tpu.memref_slice %arg4[%add3A_156, %dma_wait3A_167] : memref<819200x128xf32, #tpu.memory_space<hbm>> -> memref<128x128xf32, #tpu.memory_space<hbm>>
    %dma_wait3A_169 = arith.constant 0 : i32
    %dma_wait3A_170 = arith.constant 0 : i32
    %dma_wait3A_171 = tpu.memref_slice %arg6[%dma_wait3A_157, %dma_wait3A_169, %dma_wait3A_170] : memref<6x128x128xf32, #tpu.memory_space<vmem>> -> memref<1x128x128xf32, #tpu.memory_space<vmem>>
    %dma_wait3A_172 = tpu.memref_squeeze %dma_wait3A_171 : memref<1x128x128xf32, #tpu.memory_space<vmem>> -> memref<128x128xf32, #tpu.memory_space<vmem>>
    tpu.wait_dma2 semaphore(%dma_wait3A_166 : memref<!tpu.dma_semaphore, #tpu.memory_space<semaphore_mem>>) src(%dma_wait3A_172 : memref<128x128xf32, #tpu.memory_space<vmem>>) dst(%dma_wait3A_168 : memref<128x128xf32, #tpu.memory_space<hbm>>)
    %add3A_173 = arith.constant 25472 : i32
    %add3A_174 = arith.addi %mul3A_2, %add3A_173 : i32
    %dma_wait3A_175 = arith.constant 1 : i32
    %dma_wait3A_176 = arith.constant 1 : i32
    %dma_wait3A_177 = arith.constant 0 : i32
    %dma_wait3A_178 = arith.constant 0 : i32
    %dma_wait3A_179 = tpu.memref_slice %arg6[%dma_wait3A_175, %dma_wait3A_177, %dma_wait3A_178] : memref<6x128x128xf32, #tpu.memory_space<vmem>> -> memref<1x128x128xf32, #tpu.memory_space<vmem>>
    %dma_wait3A_180 = tpu.memref_squeeze %dma_wait3A_179 : memref<1x128x128xf32, #tpu.memory_space<vmem>> -> memref<128x128xf32, #tpu.memory_space<vmem>>
    %dma_wait3A_181 = arith.constant 0 : i32
    %dma_wait3A_182 = tpu.memref_slice %arg4[%add3A_174, %dma_wait3A_181] : memref<819200x128xf32, #tpu.memory_space<hbm>> -> memref<128x128xf32, #tpu.memory_space<hbm>>
    %dma_wait3A_183 = tpu.memref_slice %arg8[%dma_wait3A_176] : memref<6x!tpu.dma_semaphore, #tpu.memory_space<semaphore_mem>> -> memref<1x!tpu.dma_semaphore, #tpu.memory_space<semaphore_mem>>
    %dma_wait3A_184 = tpu.memref_squeeze %dma_wait3A_183 : memref<1x!tpu.dma_semaphore, #tpu.memory_space<semaphore_mem>> -> memref<!tpu.dma_semaphore, #tpu.memory_space<semaphore_mem>>
    %dma_wait3A_185 = arith.constant 0 : i32
    %dma_wait3A_186 = tpu.memref_slice %arg4[%add3A_174, %dma_wait3A_185] : memref<819200x128xf32, #tpu.memory_space<hbm>> -> memref<128x128xf32, #tpu.memory_space<hbm>>
    %dma_wait3A_187 = arith.constant 0 : i32
    %dma_wait3A_188 = arith.constant 0 : i32
    %dma_wait3A_189 = tpu.memref_slice %arg6[%dma_wait3A_175, %dma_wait3A_187, %dma_wait3A_188] : memref<6x128x128xf32, #tpu.memory_space<vmem>> -> memref<1x128x128xf32, #tpu.memory_space<vmem>>
    %dma_wait3A_190 = tpu.memref_squeeze %dma_wait3A_189 : memref<1x128x128xf32, #tpu.memory_space<vmem>> -> memref<128x128xf32, #tpu.memory_space<vmem>>
    tpu.wait_dma2 semaphore(%dma_wait3A_184 : memref<!tpu.dma_semaphore, #tpu.memory_space<semaphore_mem>>) src(%dma_wait3A_190 : memref<128x128xf32, #tpu.memory_space<vmem>>) dst(%dma_wait3A_186 : memref<128x128xf32, #tpu.memory_space<hbm>>)
    return
  }
}

</mosaic_0001>

<sc_bundles>
// kernel: kernel.3.cloned.1.call-start
scs
__scs_entry_jumppad:
0x0: {  	(pc) =	sbr.rel $0x88, $3  }
0x1: {  	(tag) =	ssettag $0x0;
	lr =	simm.s32 $0x1  }
0x2: {  	[smem:$0x3F9F] =	sst lr;
	_ =	strace $0xD0000000  }
0x3: {  	_ = 	snop  }
0x4: {  	_ = 	snop  }
0x5: {  	_ = 	snop  }
0x6: {  	_ = 	snop  }
0x7: {  	_ = 	snop  }
__scs_overlays_trampoline_lowered:
0x8: {  	[smem:$0x3FAE] =	sst s0  }
0x9: {  	[smem:$0x3FAF] =	sst s1  }
0xa: {  	[smem:$0x3FB0] =	sst s2  }
0xb: {  	[smem:$0x3FB1] =	sst s3  }
0xc: {  	[smem:$0x3FB2] =	sst s4  }
0xd: {  	[smem:$0x3FB3] =	sst s5  }
0xe: {  	[smem:$0x3FB4] =	sst s6  }
0xf: {  	[smem:$0x3FB5] =	sst s7  }
0x10: {  	[smem:$0x3FB6] =	sst s8  }
0x11: {  	[smem:$0x3FB7] =	sst s9;
	s0 =	simm.s32 @!p0 $0x0  }
0x12: {  	s1 =	sld [smem:$0x3F9D];
	s0 =	simm.s32 @p0 $0x1  }
0x13: {  	[smem:$0x3FB8] =	sst s0;
	s0 =	simm.s32 @!p1 $0x0  }
0x14: {  	s2 =	sld [smem:$0x3F9C];
	s0 =	simm.s32 @p1 $0x1  }
0x15: {  	[smem:$0x3FB9] =	sst s0;
	s0 =	simm.s32 @!p2 $0x0  }
0x16: {  	s3 =	sld [smem:$0x3FDB];
	s0 =	simm.s32 @p2 $0x1  }
0x17: {  	s4 =	simm.s32 $0x1BF5;
	[smem:$0x3FBB] =	sst s0  }
0x18: {  	s0 =	sld [smem:$0x3F9E];
	_ =	swait.ge [sflag:s4], $0x0  }
0x19: {  	s7 =	sld [smem:$0x3F9F]  }
0x1a: {  	s8 =	sadd.s32 $0xFFFFE003, lr  }
0x1b: {  	s9 =	sadd.s32 $0xFFFFFEF7, lr;
	s5 =	simm.s32 $0xFFFFFFFF;
	p2 =	slt.u32 s8, $0xFFFFF086  }
0x1c: {  	p1 =	slt.u32 s9, $0xF7A;
	s5 =	simm.s32 @!p2 $0x0  }
0x1d: {  	s5 =	simm.s32 @p1 $0x1;
	p0 =	seq.s32 s7, s2  }
0x1e: {  	s7 =	smul.u32 @!p0 $0xF7A, s2;
	p2 =	seq.s32 @!p0 s5, $0x0  }
0x1f: {  	s9 =	smul.u32 $0xF7A, s1;
	s8 =	simm.s32 @!p0 $0x1BF5;
	p2 =	por !p2, p0  }
0x20: {  	[sflag:s8] =	ssyncset.s32 @!p0 $0xFFFFF086;
	s6 =	sadd.s32 @!p0 s3, s7;
	s7 =	simm.s32 @!p0 $0x108  }
0x21: {  	s3 =	sadd.s32 s3, s9;
	s6 =	sadd.s32 @!p0 $0x88, s6;
	s7 =	simm.s32 @p2 $0x1082  }
0x22: {  	[simem:s7], [sflag:s8] =	dma.local @!p0 [hbm:s6], $0xF7A  }
0x23: {  	s9 =	sor.u32 $0xD0000000, s2;
	s6 =	simm.s32 $0x108;
	_ =	swait.ge @!p0 [sflag:s8], $0x0  }
0x24: {  	s3 =	sadd.s32 $0x88, s3;
	s6 =	simm.s32 @!p1 $0x1082;
	[sflag:s4] =	ssyncset.s32 $0xFFFFF086  }
0x25: {  	[simem:s6], [sflag:s4] =	dma.local [hbm:s3], $0xF7A  }
0x26: {  	[smem:$0x3F9F] =	sst s1;
	(tag) =	ssettag s2;
	_ =	strace s9  }
0x27: {  	s1 =	sld [smem:$0x3FAF]  }
0x28: {  	s2 =	sld [smem:$0x3FB0]  }
0x29: {  	s4 =	sld [smem:$0x3FB2]  }
0x2a: {  	p0 =	seq.s32 s5, $0x0;
	s5 =	sld [smem:$0x3FB3]  }
0x2b: {  	s6 =	sld [smem:$0x3FB4]  }
0x2c: {  	s7 =	sld [smem:$0x3FB5]  }
0x2d: {  	s3 =	simm.s32 $0x108;
	s8 =	sld [smem:$0x3FB6]  }
0x2e: {  	s3 =	simm.s32 @!p0 $0x1082;
	s9 =	sld [smem:$0x3FB7]  }
0x2f: {  	lr =	sadd.s32 s0, s3;
	s0 =	sld [smem:$0x3FAE]  }
0x30: {  	s3 =	sld [smem:$0x3FB1]  }
0x31: {  	[smem:$0x3FBA] =	sst s10  }
0x32: {  	s10 =	sld [smem:$0x3FB8];
	_ =	sdelay $0x3  }
0x33: {  	p0 =	seq.s32 s10, $0x1;
	s10 =	sld [smem:$0x3FBA];
	_ =	sdelay $0x3  }
0x34: {  	[smem:$0x3FBA] =	sst s10  }
0x35: {  	s10 =	sld [smem:$0x3FB9];
	_ =	sdelay $0x3  }
0x36: {  	p1 =	seq.s32 s10, $0x1;
	s10 =	sld [smem:$0x3FBA];
	_ =	sdelay $0x3  }
0x37: {  	[smem:$0x3FBA] =	sst s10  }
0x38: {  	s10 =	sld [smem:$0x3FBB]  }
0x39: {  	_ = 	snop;
	(pc) =	sbr.ind lr, $3  }
0x3a: {  	_ = 	snop  }
0x3b: {  	_ = 	snop  }
0x3c: {  	p2 =	seq.s32 s10, $0x1;
	s10 =	sld [smem:$0x3FBA]  }
0x3d: {  	_ =	shalt  }
0x3e: {  	_ =	shalt  }
0x3f: {  	_ =	shalt  }
0x40: {  	_ =	shalt  }
0x41: {  	_ =	shalt  }
0x42: {  	_ =	shalt  }
0x43: {  	_ =	shalt  }
0x44: {  	_ =	shalt  }
0x45: {  	_ =	shalt  }
0x46: {  	_ =	shalt  }
0x47: {  	_ =	shalt  }
0x48: {  	_ =	shalt  }
0x49: {  	_ =	shalt  }
0x4a: {  	_ =	shalt  }
0x4b: {  	_ =	shalt  }
0x4c: {  	_ =	shalt  }
0x4d: {  	_ =	shalt  }
0x4e: {  	_ =	shalt  }
0x4f: {  	_ =	shalt  }
0x50: {  	_ =	shalt  }
0x51: {  	_ =	shalt  }
0x52: {  	_ =	shalt  }
0x53: {  	_ =	shalt  }
0x54: {  	_ =	shalt  }
0x55: {  	_ =	shalt  }
0x56: {  	_ =	shalt  }
0x57: {  	_ =	shalt  }
0x58: {  	_ =	shalt  }
0x59: {  	_ =	shalt  }
0x5a: {  	_ =	shalt  }
0x5b: {  	_ =	shalt  }
0x5c: {  	_ =	shalt  }
0x5d: {  	_ =	shalt  }
0x5e: {  	_ =	shalt  }
0x5f: {  	_ =	shalt  }
0x60: {  	_ =	shalt  }
0x61: {  	_ =	shalt  }
0x62: {  	_ =	shalt  }
0x63: {  	_ =	shalt  }
0x64: {  	_ =	shalt  }
0x65: {  	_ =	shalt  }
0x66: {  	_ =	shalt  }
0x67: {  	_ =	shalt  }
0x68: {  	_ =	shalt  }
0x69: {  	_ =	shalt  }
0x6a: {  	_ =	shalt  }
0x6b: {  	_ =	shalt  }
0x6c: {  	_ =	shalt  }
0x6d: {  	_ =	shalt  }
0x6e: {  	_ =	shalt  }
0x6f: {  	_ =	shalt  }
0x70: {  	_ =	shalt  }
0x71: {  	_ =	shalt  }
0x72: {  	_ =	shalt  }
0x73: {  	_ =	shalt  }
0x74: {  	_ =	shalt  }
0x75: {  	_ =	shalt  }
0x76: {  	_ =	shalt  }
0x77: {  	_ =	shalt  }
0x78: {  	_ =	shalt  }
0x79: {  	_ =	shalt  }
0x7a: {  	_ =	shalt  }
0x7b: {  	_ =	shalt  }
0x7c: {  	_ =	shalt  }
0x7d: {  	_ =	shalt  }
0x7e: {  	_ =	shalt  }
0x7f: {  	_ =	shalt  }
0x80: {  	_ =	shalt  }
0x81: {  	_ =	shalt  }
0x82: {  	_ =	shalt  }
0x83: {  	_ =	shalt  }
0x84: {  	_ =	shalt  }
0x85: {  	_ =	shalt  }
0x86: {  	_ =	shalt  }
0x87: {  	_ =	shalt  }
.Lfunc_end0:
.L_simem_size_0:
called_computation_lowered:
.L_overlay_start_0:
0x88: {  	s2 =	sld [smem:$0x3FD9]  }
0x89: {  	s3 =	sld [smem:$0x3FFE];
	_ =	sdelay $0x1  }
0x8a: {  	s1 =	srdreg.scid  }
0x8b: {  	s0 =	sand.u32 $0x1, s1  }
0x8c: {  	s17 =	sshll.u32 s0, $0xA;
	s2 =	sadd.s32 s3, s2  }
0x8d: {  	s2 =	sadd.s32 s2, s17  }
0x8e: {  	[smem:$0x3FC6] =	sst s2  }
0x8f: {  	_ = 	snop  }
0x90: {  	s2 =	sld [smem:$0x3FC8]  }
0x91: {  	s18 =	sld [smem:$0x3FD0];
	(tm) =	ssettm $0x1  }
0x92: {  	s4 =	sld [smem:$0x3FFB];
	_ =	sdelay $0x3  }
0x93: {  	_ =	strace s4  }
0x94: {  	s4 =	sld [smem:$0x3FFC];
	_ =	sdelay $0x3  }
0x95: {  	_ =	strace s4  }
0x96: {  	s4 =	sld [smem:$0x3FFD];
	_ =	sdelay $0x3  }
0x97: {  	_ =	strace s4  }
0x98: {  	_ =	strace $0x8FFFFFFF  }
0x99: {  	s19 =	sld [smem:$0x3FDB];
	_ =	sdelay $0x1  }
0x9a: {  	s5 =	simm.s32 $_scs_section_size  }
0x9b: {  	s6 =	simm.s32 $_size__tile_overlayer_lowered;
	s7 =	simm.s32 $_tile_overlayer_lowered  }
0x9c: {  	s22 =	simm.s32 $0x1BFF;
	s21 =	sshll.u32 s7, $0x1;
	s4 =	sadd.s32 s5, s19  }
0x9d: {  	s8 =	simm.s32 $0x0;
	s20 =	sshll.u32 s6, $0x1;
	s6 =	sadd.s32 s21, s4  }
0x9e: {  	[timem:s8], [sflag:s22] =	dma.local [hbm:s6], s20  }
0x9f: {  	_ =	swait.ge [sflag:s22], s20  }
0xa0: {  	s5 =	ssub.s32 $0x0, s20;
	[sflag:s22] =	ssyncset.done $0x0  }
0xa1: {  	[sflag:s22] =	ssyncadd.s32 s5;
	_ =	sdelay $0x1  }
0xa2: {  	s23 =	simm.s32 $0x1B8B  }
0xa3: {  	_ =	swait.ge [sflag:s23], $0x1  }
0xa4: {  	[sflag:s23] =	ssyncset.done $0x0  }
0xa5: {  	s25 =	simm.s32 $0x1B8E;
	s24 =	sld [smem:$0x3FFE];
	[sflag:s23] =	ssyncadd.s32 $0xFFFFFFFF  }
0xa6: {  	s26 =	simm.s32 $execute0_lowered;
	[smem:$0x3FD2] =	sst s25  }
0xa7: {  	s6 =	sshll.u32 s26, $0x1;
	_ =	strace $0x80000046;
	[dreg:$0x1] =	wrdreg $0xFFFFFFFF  }
0xa8: {  	s28 =	simm.s32 $_size_execute0_lowered;
	s4 =	sadd.s32 s4, s6;
	[dreg:$0x0] =	wrdreg $0x0  }
0xa9: {  	s6 =	sshll.u32 s28, $0x1;
	[dreg:$0x2] =	wrdreg s4  }
0xaa: {  	[dreg:$0x3] =	wrdreg s6  }
0xab: {  	[dreg:$0x4] =	wrdreg $0xC0  }
0xac: {  	_ =	task [dreg:s8], $0x5FFFF  }
0xad: {  	[dreg:$0x1] =	wrdreg $0xFFFFFFFF  }
0xae: {  	[dreg:$0x0] =	wrdreg $0x60  }
0xaf: {  	[dreg:$0x2] =	wrdreg s2  }
0xb0: {  	[dreg:$0x3] =	wrdreg s24  }
0xb1: {  	[dreg:$0x4] =	wrdreg s18  }
0xb2: {  	[dreg:$0x5] =	wrdreg $0x9  }
0xb3: {  	_ =	task.clear_ibuf [dreg:s8], $0x6FFFF;
	_ =	strace $0x90000046  }
0xb4: {  	s29 =	simm.s32 $0x9;
	_ =	strace $0x80000048  }
0xb5: {  	_ =	swait.ge [sflag:s29], $0x1  }
0xb6: {  	[sflag:s29] =	ssyncadd.s32 $0xFFFFFFFF  }
0xb7: {  	_ =	strace $0x90000048  }
0xb8: {  	_ =	sfence  }
0xb9: {  	s30 =	sld [smem:$0x0];
	_ =	sdelay $0x2  }
0xba: {  	s31 =	sshll.u32 s1, $0xD;
	s1 =	sshrl.u32 s1, $0x2  }
0xbb: {  	s3 =	sand.u32 $0x4000, s31;
	s1 =	sadd.s32 s1, s30  }
0xbc: {  	s0 =	sor.u32 s3, s0;
	s1 =	sshll.u32 s1, $0x11  }
0xbd: {  	s0 =	sor.u32 s1, s0  }
0xbe: {  	s0 =	sadd.s32 $0x8F2B, s0  }
0xbf: {  	[sflag:s0] =	ssyncadd.remote.s32 $0x1  }
0xc0: {  	_ =	sfence.sel $0xFFFF  }
0xc1: {  	[dreg:$0x0] =	wrdreg $0xFFFFFFFF;
	(pc) =	sbr.abs _section_cstart, $3  }
0xc2: {  	[dreg:$0x1] =	wrdreg $0xFFFFFFFF  }
0xc3: {  	_ =	task.clear_ibuf [dreg:s8], $0x2FFFF;
	_ =	strace $0x9FFFFFFF  }
0xc4: {  	(tm) =	ssettm $0x7FFFFFFF  }
0xc5: {  	_ =	shalt  }
tec
execute0_lowered:
.L_overlay_start_1:
0x0: {  	(tag) =	ssettag $0x1  }
0x1: {  	s1 =	rddreg [dreg:$0x0]  }
0x2: {  	s0 =	srdreg.scid;
	s4 =	rddreg [dreg:$0x1]  }
0x3: {  	s5 =	stileid.u32;
	s6 =	rddreg [dreg:$0x2];
	s3 =	simm.s32 $0x0  }
0x4: {  	s13 =	simm.s32 $0x180;
	s14 =	simm.s32 $0x12400;
	s15 =	simm.s32 $0x200  }
0x5: {  	s16 =	simm.s32 $0x16400;
	s17 =	simm.s32 $0x9;
	s18 =	simm.s32 $0xA  }
0x6: {  	s19 =	simm.s32 $0xB;
	s20 =	simm.s32 $0xC;
	s21 =	simm.s32 $0x7  }
0x7: {  	s22 =	simm.s32 $0x8;
	s23 =	simm.s32 $0x0;
	s0 =	sand.u32 $0x1, s0  }
0x8: {  	s2 =	sshll.u32 s5, $0x1;
	s5 =	smul.u32 $0x640000, s5;
	[smem:$0x7FF] =	sst s3  }
0x9: {  	s2 =	sor.u32 s0, s2;
	s7 =	ssub.s32 $0x2, s0;
	s0 =	smul.u32 $0x320000, s0  }
0xa: {  	_ =	strace $0x80000047;
	s2 =	smul.u32 $0xC80, s2;
	s8 =	sshrl.u32 s7, $0x1  }
0xb: {  	s7 =	ssub.s32 s7, s8;
	s0 =	sadd.s32 s0, s5;
	s8 =	simm.s32 $0x80  }
0xc: {  	s2 =	sadd.s32 s2, s4;
	s5 =	smax.u32 s7, $0x1;
	s0 =	sshrl.u32 s0, $0x3  }
0xd: {  	s7 =	simm.s32 $0xD;
	s4 =	sadd.s32 $0x400, s2;
	s6 =	sadd.s32 s0, s6  }
.LBB2_1:
0xe: {  	[tilespmem:s3], [sflag:$0xD] =	stream.linear.gather [hbm4b:s4+s3], $0x6400, $0x38;
	[tilespmem:$0x1E400] =	vst v63  }
0xf: {  	_ =	swait.ge [sflag:s7], $0x6400  }
0x10: {  	[sflag:s7] =	ssyncset.done $0x0  }
0x11: {  	s0 =	simm.s32 $0x6400;
	s26 =	smul.u32 $0xAB, s3;
	[sflag:s7] =	ssyncadd.s32 $0xFFFF9C00  }
0x12: {  	[tilespmem:s0], [sflag:$0x1] =	stream.indirect.gather [hbm4b:s1+s8], $0x80, s3, s8, $0xb8;
	[tilespmem:$0x1E400] =	vst v63  }
0x13: {  	s24 =	simm.s32 $0xA400;
	s0 =	sshrl.u32 s26, $0xA  }
0x14: {  	s25 =	simm.s32 $0x100;
	s2 =	simm.s32 $0xE400;
	s0 =	sand.u32 $0x3F, s0  }
0x15: {  	[tilespmem:s24], [sflag:$0x2] =	stream.indirect.gather [hbm4b:s1+s8], $0x80, s8, s8, $0xb8;
	[tilespmem:$0x1E400] =	vst v63  }
0x16: {  	p1 =	por $0x0, $0x0;
	s28 =	simm.s32 $0x280;
	s0 =	smul.u32 $0x6, s0  }
0x17: {  	[tilespmem:s2], [sflag:$0x3] =	stream.indirect.gather [hbm4b:s1+s8], $0x80, s25, s8, $0xb8;
	[tilespmem:$0x1E400] =	vst v63  }
0x18: {  	s29 =	simm.s32 $0x2;
	p0 =	por p1, p1;
	s2 =	simm.s32 $0x5  }
0x19: {  	s26 =	simm.s32 $0x1;
	s0 =	ssub.s32 $0x0, s0;
	s2 =	smul.u32 @!p1 $0xAB, s2  }
0x1a: {  	[tilespmem:s14], [sflag:$0x4] =	stream.indirect.gather [hbm4b:s1+s8], $0x80, s13, s8, $0xb8;
	[tilespmem:$0x1E400] =	vst v63  }
0x1b: {  	s24 =	simm.s32 $0x300;
	s0 =	sand.u32 $0xFF, s0;
	s2 =	sshrl.u32 @!p0 s2, $0xA  }
0x1c: {  	[tilespmem:s16], [sflag:$0x5] =	stream.indirect.gather [hbm4b:s1+s8], $0x80, s15, s8, $0xb8;
	[tilespmem:$0x1E400] =	vst v63  }
0x1d: {  	s25 =	sadd.s32 $0x800, s6;
	s9 =	sadd.s32 $0x1, s0;
	s2 =	sand.u32 @!p0 $0x3F, s2  }
0x1e: {  	p1 =	por @!p1 $0x1, $0x1;
	s2 =	smul.u32 @!p0 $0x6, s2;
	_ =	swait.ge [sflag:s9], $0x4000  }
0x1f: {  	s30 =	sshll.u32 s0, $0xE;
	s0 =	sadd.s32 $0x7, s0;
	[sflag:s9] =	ssyncset.done $0x0  }
0x20: {  	s30 =	sadd.s32 $0x6400, s30;
	s2 =	ssub.s32 @!p0 $0x5, s2;
	[sflag:s9] =	ssyncadd.s32 $0xFFFFC000  }
0x21: {  	[hbm4b:s6+s3] =	stream.linear.scatter [tilespmem:s30], [sflag:s0], $0x4000, $0x38;
	[tilespmem:$0x1E400] =	vst v63  }
0x22: {  	p2 =	por p1, p0;
	s9 =	smul.u32 $0xAB, s26;
	s0 =	sand.u32 @!p0 $0xFF, s2  }
0x23: {  	s30 =	simm.s32 @!p0 $0x80;
	s31 =	sadd.s32 @!p2 $0x7, s0;
	s2 =	sshll.u32 @!p0 s0, $0xE  }
.LBB2_2:
0x24: {  	p3 =	sgt.u32 s26, $0xC2;
	_ =	swait.ge @!p2 [sflag:s31], $0x4000  }
0x25: {  	s0 =	sadd.s32 @!p0 $0x1, s0;
	s10 =	smov.u32 s29;
	s11 =	smov.u32 s25  }
0x26: {  	s12 =	sadd.s32 $0x5, s26;
	s9 =	sshrl.u32 s9, $0xA;
	[sflag:s31] =	ssyncset.done @!p2 $0x0  }
0x27: {  	s2 =	sadd.s32 @!p0 $0x6400, s2;
	s9 =	sand.u32 $0x3F, s9;
	[sflag:s31] =	ssyncadd.s32 @!p2 $0xFFFFC000  }
0x28: {  	[tilespmem:s2], [sflag:s0] =	stream.indirect.gather @!p0 [hbm4b:s1+s30], $0x80, s28, s30, $0xb8;
	[tilespmem:$0x1E400] =	vst v63  }
0x29: {  	s29 =	sadd.s32 $0x1, s29;
	p2 =	seq.s32 @!p3 s26, $0x0;
	s0 =	smul.u32 $0x6, s9  }
0x2a: {  	p1 =	sne.s32 s29, $0xC8;
	s2 =	smul.u32 @!p3 $0xAB, s12;
	s28 =	smov.u32 s24  }
0x2b: {  	p0 =	por p3, p3;
	s0 =	ssub.s32 s26, s0;
	s26 =	smov.u32 s10  }
0x2c: {  	s25 =	sadd.s32 $0x800, s25;
	s2 =	sshrl.u32 @!p0 s2, $0xA;
	s0 =	sand.u32 $0xFF, s0  }
0x2d: {  	s2 =	sand.u32 @!p0 $0x3F, s2;
	s9 =	sadd.s32 $0x1, s0;
	s10 =	sshll.u32 s0, $0xE  }
0x2e: {  	s24 =	sadd.s32 $0x80, s24;
	s30 =	simm.s32 @!p0 $0x80;
	s2 =	smul.u32 @!p0 $0x6, s2  }
.Ltmp0:
0x2f: {  	s31 =	sadd.s32 $0x7, s0;
	_ =	swait.ge [sflag:s9], $0x4000;
	(pc) =	sbr.rel @p1 .LBB2_2-.Ltmp0, $4  }
0x30: {  	s10 =	sadd.s32 $0x6400, s10;
	s0 =	ssub.s32 @!p0 s12, s2;
	[sflag:s9] =	ssyncset.done $0x0  }
0x31: {  	p2 =	por p2, p0;
	s0 =	sand.u32 @!p0 $0xFF, s0;
	[sflag:s9] =	ssyncadd.s32 $0xFFFFC000  }
0x32: {  	[hbm4b:s11+s3] =	stream.linear.scatter [tilespmem:s10], [sflag:s31], $0x4000, $0x38;
	[tilespmem:$0x1E400] =	vst v63  }
0x33: {  	s2 =	sshll.u32 @!p0 s0, $0xE;
	s9 =	smul.u32 $0xAB, s26;
	s31 =	sadd.s32 @!p2 $0x7, s0  }
0x34: {  	_ =	swait.ge @!p2 [sflag:s31], $0x4000  }
0x35: {  	s0 =	sadd.s32 @!p0 $0x1, s0;
	s9 =	sshrl.u32 s9, $0xA;
	[sflag:s31] =	ssyncset.done @!p2 $0x0  }
0x36: {  	s2 =	sadd.s32 @!p0 $0x6400, s2;
	s9 =	sand.u32 $0x3F, s9;
	[sflag:s31] =	ssyncadd.s32 @!p2 $0xFFFFC000  }
0x37: {  	[tilespmem:s2], [sflag:s0] =	stream.indirect.gather @!p0 [hbm4b:s1+s30], $0x80, s28, s30, $0xb8;
	[tilespmem:$0x1E400] =	vst v63  }
0x38: {  	p1 =	sgt.u32 s26, $0xC2;
	s0 =	sadd.s32 $0x5, s26;
	s31 =	smul.u32 $0x6, s9  }
0x39: {  	s9 =	smul.u32 @!p1 $0xAB, s0  }
0x3a: {  	p0 =	por p1, p1  }
0x3b: {  	s2 =	ssub.s32 s26, s31;
	s9 =	sshrl.u32 @!p0 s9, $0xA  }
0x3c: {  	s2 =	sand.u32 $0xFF, s2;
	s9 =	sand.u32 @!p0 $0x3F, s9  }
0x3d: {  	p1 =	seq.s32 @!p1 s26, $0x0;
	s10 =	sadd.s32 $0x1, s2;
	s9 =	smul.u32 @!p0 $0x6, s9  }
0x3e: {  	p1 =	por p1, p0;
	s11 =	sshll.u32 s2, $0xE;
	_ =	swait.ge [sflag:s10], $0x4000  }
0x3f: {  	s2 =	sadd.s32 $0x7, s2;
	[sflag:s10] =	ssyncset.done $0x0;
	s0 =	ssub.s32 @!p0 s0, s9  }
0x40: {  	s11 =	sadd.s32 $0x6400, s11;
	[sflag:s10] =	ssyncadd.s32 $0xFFFFC000;
	s0 =	sand.u32 @!p0 $0xFF, s0  }
0x41: {  	[hbm4b:s25+s3] =	stream.linear.scatter [tilespmem:s11], [sflag:s2], $0x4000, $0x38;
	[tilespmem:$0x1E400] =	vst v63  }
0x42: {  	s2 =	sadd.s32 @!p1 $0x7, s0  }
0x43: {  	_ =	swait.ge @!p1 [sflag:s2], $0x4000  }
0x44: {  	s9 =	simm.s32 @!p0 $0x80;
	s10 =	sshll.u32 @!p0 s0, $0xE;
	[sflag:s2] =	ssyncset.done @!p1 $0x0  }
0x45: {  	s0 =	sadd.s32 @!p0 $0x1, s0;
	[sflag:s2] =	ssyncadd.s32 @!p1 $0xFFFFC000;
	s2 =	sadd.s32 @!p0 $0x6400, s10  }
0x46: {  	[tilespmem:s2], [sflag:s0] =	stream.indirect.gather @!p0 [hbm4b:s1+s9], $0x80, s24, s9, $0xb8;
	[tilespmem:$0x1E400] =	vst v63  }
0x47: {  	_ =	swait.ge [sflag:s17], $0x4000  }
0x48: {  	[sflag:s17] =	ssyncset.done $0x0  }
0x49: {  	[sflag:s17] =	ssyncadd.s32 $0xFFFFC000  }
0x4a: {  	_ =	swait.ge [sflag:s18], $0x4000  }
0x4b: {  	[sflag:s18] =	ssyncset.done $0x0  }
0x4c: {  	[sflag:s18] =	ssyncadd.s32 $0xFFFFC000  }
0x4d: {  	_ =	swait.ge [sflag:s19], $0x4000  }
0x4e: {  	[sflag:s19] =	ssyncset.done $0x0  }
0x4f: {  	[sflag:s19] =	ssyncadd.s32 $0xFFFFC000  }
0x50: {  	_ =	swait.ge [sflag:s20], $0x4000  }
0x51: {  	[sflag:s20] =	ssyncset.done $0x0  }
0x52: {  	s23 =	sadd.s32 $0x1, s23;
	[sflag:s20] =	ssyncadd.s32 $0xFFFFC000  }
0x53: {  	p0 =	sne.s32 s23, s5;
	_ =	swait.ge [sflag:s21], $0x4000  }
.Ltmp1:
0x54: {  	[sflag:s21] =	ssyncset.done $0x0;
	(pc) =	sbr.rel @p0 .LBB2_1-.Ltmp1, $4  }
0x55: {  	[sflag:s21] =	ssyncadd.s32 $0xFFFFC000  }
0x56: {  	_ =	swait.ge [sflag:s22], $0x4000  }
0x57: {  	[sflag:s22] =	ssyncset.done $0x0  }
0x58: {  	[sflag:s22] =	ssyncadd.s32 $0xFFFFC000  }
0x59: {  	_ =	sfence.sel $0x180000  }
0x5a: {  	[bflag:$0x0] =	sbarrier.arrive $0xFFFF  }
0x5b: {  	_ =	strace $0x90000047  }
0x5c: {  	s0 =	stileid.u32;
	[bflag:$0x2] =	sbarrier.arrive $0xFFFF  }
0x5d: {  	p0 =	sne.s32 s0, $0x0;
	s0 =	rddreg [dreg:$0x3]  }
0x5e: {  	s0 =	sadd.s32 @!p0 $0x100000, s0  }
0x5f: {  	[sflag:s0] =	ssyncadd.tile.s32 @!p0 $0x1;
	_ =	shalt  }
.Lfunc_end2:
_tile_overlayer_lowered:
.L_overlay_start_2:
0x60: {  	(tag) =	ssettag $0x2  }
0x61: {  	s0 =	rddreg [dreg:$0x0];
	s2 =	stileid.u32  }
0x62: {  	s1 =	rddreg [dreg:$0x1];
	p0 =	sne.s32 s2, $0x0  }
0x63: {  	s3 =	rddreg [dreg:$0x2];
	[bflag:$0x3] =	sbarrier.arrive $0xFFFF;
	s2 =	simm.s32 @!p0 $0x1C0D  }
0x64: {  	[timem:s3], [sflag:s2] =	dma.local @!p0 [hbm:s0], s1  }
0x65: {  	s0 =	simm.s32 @!p0 $0xD  }
0x66: {  	_ =	swait.ge @!p0 [sflag:s0], s1  }
0x67: {  	s1 =	ssub.s32 @!p0 $0x0, s1;
	[sflag:s0] =	ssyncset.done @!p0 $0x0  }
0x68: {  	[sflag:s0] =	ssyncadd.s32 @!p0 s1  }
0x69: {  	[bflag:$0x3] =	sbarrier.arrive $0xFFFF  }
0x6a: {  	_ =	shalt  }

</sc_bundles>
